<compile_context>
chip_gen: v7x
topology: tpu7x:2x2x1
jax: 0.10.2.dev20260603
libtpu: 0.0.44.dev20260713+nightly
codegen_flags: <defaults>
</compile_context>

<pallas_src>
import functools

import jax
import jax.numpy as jnp
from jax import lax
from jax.experimental import pallas as pl
from jax.experimental.pallas import tpu as pltpu
from jax.experimental.pallas import tpu_sc as plsc

_LANES = 16


@functools.cache
def _build_sc_gather(b, l_pad, vocab, d):
    info = plsc.get_sparse_core_info()
    nc, ns = info.num_cores, info.num_subcores
    nw = nc * ns
    assert b % nw == 0
    rows_per_w = b // nw
    assert rows_per_w % 2 == 0 and rows_per_w >= 4
    assert l_pad % 8 == 0 and l_pad <= 128

    mesh = plsc.VectorSubcoreMesh(core_axis_name="c", subcore_axis_name="s")

    @functools.partial(
        pl.kernel,
        mesh=mesh,
        out_type=jax.ShapeDtypeStruct((b * l_pad, d), jnp.float32),
        scratch_types=[
            pltpu.VMEM((rows_per_w, l_pad), jnp.int32),
            pltpu.VMEM((l_pad, d), jnp.float32),
            pltpu.VMEM((l_pad, d), jnp.float32),
            pltpu.SemaphoreType.DMA,
            pltpu.SemaphoreType.DMA,
            pltpu.SemaphoreType.DMA,
            pltpu.SemaphoreType.DMA,
        ],
    )
    def sc_gather(ids_hbm, table_hbm, emb_out,
                  idx_v, buf_a, buf_b, gsa, gsb, ssa, ssb):
        wid = lax.axis_index("s") * nc + lax.axis_index("c")
        base = wid * rows_per_w

        pltpu.sync_copy(ids_hbm.at[wid], idx_v)

        def gather(j, buf, sem):
            return pltpu.make_async_copy(table_hbm.at[idx_v.at[j]], buf, sem)

        def scatter(j, buf, sem):
            dst = emb_out.at[pl.ds((base + j) * l_pad, l_pad)]
            return pltpu.make_async_copy(buf, dst, sem)

        gather(0, buf_a, gsa).start()
        gather(0, buf_a, gsa).wait()
        gather(1, buf_b, gsb).start()
        scatter(0, buf_a, ssa).start()

        def pipe(i, carry):
            c = 2 * i + 1
            gather(c, buf_b, gsb).wait()
            scatter(c - 1, buf_a, ssa).wait()
            gather(c + 1, buf_a, gsa).start()
            scatter(c, buf_b, ssb).start()
            gather(c + 1, buf_a, gsa).wait()
            scatter(c, buf_b, ssb).wait()
            gather(c + 2, buf_b, gsb).start()
            scatter(c + 1, buf_a, ssa).start()
            return carry

        lax.fori_loop(0, rows_per_w // 2 - 1, pipe, 0)

        last = rows_per_w - 1
        gather(last, buf_b, gsb).wait()
        scatter(last - 1, buf_a, ssa).wait()
        scatter(last, buf_b, ssb).start()
        scatter(last, buf_b, ssb).wait()

    return sc_gather


@functools.cache
def _build_relayout_ts(b, l, l_pad, d, nb=16):
    inv = 1.0 / float(l - 1)
    assert b % nb == 0

    def body(src_ref, emb_ref, ts_ref):
        emb_ref[...] = src_ref[...].reshape(nb, l_pad, d)[:, :l, :]
        pos = lax.broadcasted_iota(jnp.int32, (nb, l), 1)
        ts_ref[...] = pos.astype(jnp.float32) * inv

    return pl.pallas_call(
        body,
        grid=(b // nb,),
        in_specs=[pl.BlockSpec((nb * l_pad, d), lambda i: (i, 0))],
        out_specs=[
            pl.BlockSpec((nb, l, d), lambda i: (i, 0, 0)),
            pl.BlockSpec((nb, l), lambda i: (i, 0)),
        ],
        out_shape=[
            jax.ShapeDtypeStruct((b, l, d), jnp.float32),
            jax.ShapeDtypeStruct((b, l), jnp.float32),
        ],
    )


def kernel(input_ids, table):
    b, l = input_ids.shape
    vocab, d = table.shape
    nw = 32
    l_pad = max((l + 7) // 8 * 8, _LANES)
    ids = input_ids.astype(jnp.int32)
    ids_pad = jnp.concatenate([ids, ids[:, : l_pad - l]], axis=1)
    ids_pad = ids_pad.reshape(nw, b // nw, l_pad)
    staged = _build_sc_gather(b, l_pad, vocab, d)(ids_pad, table)
    emb, ts = _build_relayout_ts(b, l, l_pad, d)(staged)
    return emb, ts

# --- scband reference (transcript-rebuilt; emitter-appended) ---
"""Pipeline reference for scband-text-adapter-26250840113217 (READ-ONLY COPY).

The authoritative reference and input builder live on the scoring server;
editing this copy changes nothing except your own understanding.
"""

import jax, jax.numpy as jnp
import numpy as np

VOCAB = 30522
D = 768
B = 1024
L = 50

def setup_inputs(seed: int = 0) -> dict:
    key = jax.random.key(seed)
    k1, k2 = jax.random.split(key)
    input_ids = jax.random.randint(k1, (B, L), 0, VOCAB, dtype=jnp.int64 if jax.config.read('jax_enable_x64') else jnp.int32)
    table = jax.random.normal(k2, (VOCAB, D), dtype=jnp.float32) * 0.02
    return {"input_ids": input_ids, "table": table}

def reference(input_ids, table):
    # TextAdapter.forward core: embedding lookup over tokenized ids
    embeddings = jnp.take(table, input_ids, axis=0)  # [B, L, D]
    # timestamps = linspace(0, 1, seq_len) expanded to batch
    seq_len = input_ids.shape[1]
    timestamps = jnp.broadcast_to(jnp.linspace(0.0, 1.0, seq_len)[None, :], (input_ids.shape[0], seq_len))
    return (embeddings, timestamps)

if __name__ == "__main__":
    import jax
    _d = setup_inputs()
    print(jax.jit(kernel)(*tuple(_d.values())))

</pallas_src>

<mosaic_0001>
#map = affine_map<(d0, d1) -> (0, 0, 0)>
#map1 = affine_map<(d0, d1) -> (0, 0)>
module attributes {stable_mosaic.version = 14 : i64} {
  func.func @sc_gather(%arg0: i32, %arg1: i32, %arg2: memref<32x32x56xi32, #tpu.memory_space<hbm>>, %arg3: memref<30522x768xf32, #tpu.memory_space<hbm>>, %arg4: memref<57344x768xf32, #tpu.memory_space<hbm>>, %arg5: memref<32x56xi32, #tpu.memory_space<vmem>>, %arg6: memref<56x768xf32, #tpu.memory_space<vmem>>, %arg7: memref<56x768xf32, #tpu.memory_space<vmem>>, %arg8: memref<!tpu.dma_semaphore, #tpu.memory_space<semaphore_mem>>, %arg9: memref<!tpu.dma_semaphore, #tpu.memory_space<semaphore_mem>>, %arg10: memref<!tpu.dma_semaphore, #tpu.memory_space<semaphore_mem>>, %arg11: memref<!tpu.dma_semaphore, #tpu.memory_space<semaphore_mem>>) attributes {dimension_semantics = [#tpu.dimension_semantics<core_parallel>, #tpu.dimension_semantics<subcore_parallel>], iteration_bounds = array<i64: 2, 16>, scalar_prefetch = 0 : i64, scratch_operands = 7 : i64, tpu.core_type = #tpu.core_type<sc_vector_subcore>, window_params = [{transform_indices = #map}, {transform_indices = #map1}, {transform_indices = #map1}]} {
    %mul3A = arith.constant 2 : i32
    %mul3A_0 = arith.muli %arg1, %mul3A : i32
    %add3A = arith.addi %mul3A_0, %arg0 : i32
    %mul3A_1 = arith.constant 32 : i32
    %mul3A_2 = arith.muli %add3A, %mul3A_1 : i32
    "tpu.region"() ({
      %run_scoped3A = tpu.sem_alloc : memref<!tpu.dma_semaphore, #tpu.memory_space<semaphore_mem>>
      %dma_start3A_66 = arith.constant 0 : i32
      %dma_start3A_67 = arith.constant 0 : i32
      %dma_start3A_68 = tpu.memref_slice %arg2[%add3A, %dma_start3A_66, %dma_start3A_67] : memref<32x32x56xi32, #tpu.memory_space<hbm>> -> memref<1x32x56xi32, #tpu.memory_space<hbm>>
      %dma_start3A_69 = tpu.memref_squeeze %dma_start3A_68 : memref<1x32x56xi32, #tpu.memory_space<hbm>> -> memref<32x56xi32, #tpu.memory_space<hbm>>
      %dma_start3A_70 = arith.constant 0 : i32
      %dma_start3A_71 = arith.constant 0 : i32
      %dma_start3A_72 = tpu.memref_slice %arg2[%add3A, %dma_start3A_70, %dma_start3A_71] : memref<32x32x56xi32, #tpu.memory_space<hbm>> -> memref<1x32x56xi32, #tpu.memory_space<hbm>>
      %dma_start3A_73 = tpu.memref_squeeze %dma_start3A_72 : memref<1x32x56xi32, #tpu.memory_space<hbm>> -> memref<32x56xi32, #tpu.memory_space<hbm>>
      tpu.enqueue_dma source(%dma_start3A_73 : memref<32x56xi32, #tpu.memory_space<hbm>>) target(%arg5 : memref<32x56xi32, #tpu.memory_space<vmem>>) target_semaphore(%run_scoped3A : memref<!tpu.dma_semaphore, #tpu.memory_space<semaphore_mem>>)
      %dma_wait3A_74 = arith.constant 0 : i32
      %dma_wait3A_75 = arith.constant 0 : i32
      %dma_wait3A_76 = tpu.memref_slice %arg2[%add3A, %dma_wait3A_74, %dma_wait3A_75] : memref<32x32x56xi32, #tpu.memory_space<hbm>> -> memref<1x32x56xi32, #tpu.memory_space<hbm>>
      %dma_wait3A_77 = tpu.memref_squeeze %dma_wait3A_76 : memref<1x32x56xi32, #tpu.memory_space<hbm>> -> memref<32x56xi32, #tpu.memory_space<hbm>>
      %dma_wait3A_78 = arith.constant 0 : i32
      %dma_wait3A_79 = arith.constant 0 : i32
      %dma_wait3A_80 = tpu.memref_slice %arg2[%add3A, %dma_wait3A_78, %dma_wait3A_79] : memref<32x32x56xi32, #tpu.memory_space<hbm>> -> memref<1x32x56xi32, #tpu.memory_space<hbm>>
      %dma_wait3A_81 = tpu.memref_squeeze %dma_wait3A_80 : memref<1x32x56xi32, #tpu.memory_space<hbm>> -> memref<32x56xi32, #tpu.memory_space<hbm>>
      tpu.wait_dma2 semaphore(%run_scoped3A : memref<!tpu.dma_semaphore, #tpu.memory_space<semaphore_mem>>) src(%dma_wait3A_81 : memref<32x56xi32, #tpu.memory_space<hbm>>) dst(%arg5 : memref<32x56xi32, #tpu.memory_space<vmem>>)
      tpu.yield
    }) : () -> ()
    %dma_start3A = arith.constant 0 : i32
    %dma_start3A_3 = arith.constant 0 : i32
    %dma_start3A_4 = tpu.memref_slice %arg5[%dma_start3A, %dma_start3A_3] : memref<32x56xi32, #tpu.memory_space<vmem>> -> memref<1x56xi32, #tpu.memory_space<vmem>>
    %dma_start3A_5 = tpu.memref_squeeze %dma_start3A_4 : memref<1x56xi32, #tpu.memory_space<vmem>> -> memref<56xi32, #tpu.memory_space<vmem>>
    %dma_start3A_6 = arith.constant 0 : i32
    %dma_start3A_7 = arith.constant 0 : i32
    %dma_start3A_8 = tpu.memref_slice %arg3[%dma_start3A_6, %dma_start3A_7] : memref<30522x768xf32, #tpu.memory_space<hbm>> -> memref<30522x768xf32, #tpu.memory_space<hbm>>
    tpu.enqueue_indirect_dma source(%dma_start3A_8 : memref<30522x768xf32, #tpu.memory_space<hbm>>) target(%arg6 : memref<56x768xf32, #tpu.memory_space<vmem>>) offsets(%dma_start3A_5 : memref<56xi32, #tpu.memory_space<vmem>>) semaphore(%arg8 : memref<!tpu.dma_semaphore, #tpu.memory_space<semaphore_mem>>)
    %dma_wait3A = arith.constant 0 : i32
    %dma_wait3A_9 = arith.constant 0 : i32
    %dma_wait3A_10 = tpu.memref_slice %arg5[%dma_wait3A, %dma_wait3A_9] : memref<32x56xi32, #tpu.memory_space<vmem>> -> memref<1x56xi32, #tpu.memory_space<vmem>>
    %dma_wait3A_11 = tpu.memref_squeeze %dma_wait3A_10 : memref<1x56xi32, #tpu.memory_space<vmem>> -> memref<56xi32, #tpu.memory_space<vmem>>
    %dma_wait3A_12 = arith.constant 0 : i32
    %dma_wait3A_13 = arith.constant 0 : i32
    %dma_wait3A_14 = tpu.memref_slice %arg3[%dma_wait3A_12, %dma_wait3A_13] : memref<30522x768xf32, #tpu.memory_space<hbm>> -> memref<30522x768xf32, #tpu.memory_space<hbm>>
    tpu.wait_indirect_dma semaphore(%arg8 : memref<!tpu.dma_semaphore, #tpu.memory_space<semaphore_mem>>) src(%dma_wait3A_14 : memref<30522x768xf32, #tpu.memory_space<hbm>>) dst(%arg6 : memref<56x768xf32, #tpu.memory_space<vmem>>)
    %dma_start3A_15 = arith.constant 1 : i32
    %dma_start3A_16 = arith.constant 0 : i32
    %dma_start3A_17 = tpu.memref_slice %arg5[%dma_start3A_15, %dma_start3A_16] : memref<32x56xi32, #tpu.memory_space<vmem>> -> memref<1x56xi32, #tpu.memory_space<vmem>>
    %dma_start3A_18 = tpu.memref_squeeze %dma_start3A_17 : memref<1x56xi32, #tpu.memory_space<vmem>> -> memref<56xi32, #tpu.memory_space<vmem>>
    %dma_start3A_19 = arith.constant 0 : i32
    %dma_start3A_20 = arith.constant 0 : i32
    %dma_start3A_21 = tpu.memref_slice %arg3[%dma_start3A_19, %dma_start3A_20] : memref<30522x768xf32, #tpu.memory_space<hbm>> -> memref<30522x768xf32, #tpu.memory_space<hbm>>
    tpu.enqueue_indirect_dma source(%dma_start3A_21 : memref<30522x768xf32, #tpu.memory_space<hbm>>) target(%arg7 : memref<56x768xf32, #tpu.memory_space<vmem>>) offsets(%dma_start3A_18 : memref<56xi32, #tpu.memory_space<vmem>>) semaphore(%arg9 : memref<!tpu.dma_semaphore, #tpu.memory_space<semaphore_mem>>)
    %add3A_22 = arith.constant 0 : i32
    %add3A_23 = arith.addi %mul3A_2, %add3A_22 : i32
    %mul3A_24 = arith.constant 56 : i32
    %mul3A_25 = arith.muli %add3A_23, %mul3A_24 : i32
    %dma_start3A_26 = arith.constant 0 : i32
    %dma_start3A_27 = tpu.memref_slice %arg4[%mul3A_25, %dma_start3A_26] : memref<57344x768xf32, #tpu.memory_space<hbm>> -> memref<56x768xf32, #tpu.memory_space<hbm>>
    %dma_start3A_28 = arith.constant 0 : i32
    %dma_start3A_29 = tpu.memref_slice %arg4[%mul3A_25, %dma_start3A_28] : memref<57344x768xf32, #tpu.memory_space<hbm>> -> memref<56x768xf32, #tpu.memory_space<hbm>>
    tpu.enqueue_dma source(%arg6 : memref<56x768xf32, #tpu.memory_space<vmem>>) target(%dma_start3A_29 : memref<56x768xf32, #tpu.memory_space<hbm>>) target_semaphore(%arg10 : memref<!tpu.dma_semaphore, #tpu.memory_space<semaphore_mem>>)
    %scan3A = arith.constant 0 : i32
    %scan3A_30 = arith.constant 0 : i32
    %scan3A_31 = arith.constant 15 : i32
    %scan3A_32 = arith.addi %scan3A_30, %scan3A_31 : i32
    %scan3A_33 = arith.constant 1 : i32
    scf.for %scan3A_66 = %scan3A_30 to %scan3A_32 step %scan3A_33  : i32 {
      %mul3A_67 = arith.constant 2 : i32
      %mul3A_68 = arith.muli %mul3A_67, %scan3A_66 : i32
      %add3A_69 = arith.constant 1 : i32
      %add3A_70 = arith.addi %mul3A_68, %add3A_69 : i32
      %dma_wait3A_71 = arith.constant 0 : i32
      %dma_wait3A_72 = tpu.memref_slice %arg5[%add3A_70, %dma_wait3A_71] : memref<32x56xi32, #tpu.memory_space<vmem>> -> memref<1x56xi32, #tpu.memory_space<vmem>>
      %dma_wait3A_73 = tpu.memref_squeeze %dma_wait3A_72 : memref<1x56xi32, #tpu.memory_space<vmem>> -> memref<56xi32, #tpu.memory_space<vmem>>
      %dma_wait3A_74 = arith.constant 0 : i32
      %dma_wait3A_75 = arith.constant 0 : i32
      %dma_wait3A_76 = tpu.memref_slice %arg3[%dma_wait3A_74, %dma_wait3A_75] : memref<30522x768xf32, #tpu.memory_space<hbm>> -> memref<30522x768xf32, #tpu.memory_space<hbm>>
      tpu.wait_indirect_dma semaphore(%arg9 : memref<!tpu.dma_semaphore, #tpu.memory_space<semaphore_mem>>) src(%dma_wait3A_76 : memref<30522x768xf32, #tpu.memory_space<hbm>>) dst(%arg7 : memref<56x768xf32, #tpu.memory_space<vmem>>)
      %sub3A = arith.constant 1 : i32
      %sub3A_77 = arith.subi %add3A_70, %sub3A : i32
      %add3A_78 = arith.addi %mul3A_2, %sub3A_77 : i32
      %mul3A_79 = arith.constant 56 : i32
      %mul3A_80 = arith.muli %add3A_78, %mul3A_79 : i32
      %dma_wait3A_81 = arith.constant 0 : i32
      %dma_wait3A_82 = tpu.memref_slice %arg4[%mul3A_80, %dma_wait3A_81] : memref<57344x768xf32, #tpu.memory_space<hbm>> -> memref<56x768xf32, #tpu.memory_space<hbm>>
      %dma_wait3A_83 = arith.constant 0 : i32
      %dma_wait3A_84 = tpu.memref_slice %arg4[%mul3A_80, %dma_wait3A_83] : memref<57344x768xf32, #tpu.memory_space<hbm>> -> memref<56x768xf32, #tpu.memory_space<hbm>>
      tpu.wait_dma2 semaphore(%arg10 : memref<!tpu.dma_semaphore, #tpu.memory_space<semaphore_mem>>) src(%arg6 : memref<56x768xf32, #tpu.memory_space<vmem>>) dst(%dma_wait3A_84 : memref<56x768xf32, #tpu.memory_space<hbm>>)
      %add3A_85 = arith.constant 1 : i32
      %add3A_86 = arith.addi %add3A_70, %add3A_85 : i32
      %dma_start3A_87 = arith.constant 0 : i32
      %dma_start3A_88 = tpu.memref_slice %arg5[%add3A_86, %dma_start3A_87] : memref<32x56xi32, #tpu.memory_space<vmem>> -> memref<1x56xi32, #tpu.memory_space<vmem>>
      %dma_start3A_89 = tpu.memref_squeeze %dma_start3A_88 : memref<1x56xi32, #tpu.memory_space<vmem>> -> memref<56xi32, #tpu.memory_space<vmem>>
      %dma_start3A_90 = arith.constant 0 : i32
      %dma_start3A_91 = arith.constant 0 : i32
      %dma_start3A_92 = tpu.memref_slice %arg3[%dma_start3A_90, %dma_start3A_91] : memref<30522x768xf32, #tpu.memory_space<hbm>> -> memref<30522x768xf32, #tpu.memory_space<hbm>>
      tpu.enqueue_indirect_dma source(%dma_start3A_92 : memref<30522x768xf32, #tpu.memory_space<hbm>>) target(%arg6 : memref<56x768xf32, #tpu.memory_space<vmem>>) offsets(%dma_start3A_89 : memref<56xi32, #tpu.memory_space<vmem>>) semaphore(%arg8 : memref<!tpu.dma_semaphore, #tpu.memory_space<semaphore_mem>>)
      %add3A_93 = arith.addi %mul3A_2, %add3A_70 : i32
      %mul3A_94 = arith.constant 56 : i32
      %mul3A_95 = arith.muli %add3A_93, %mul3A_94 : i32
      %dma_start3A_96 = arith.constant 0 : i32
      %dma_start3A_97 = tpu.memref_slice %arg4[%mul3A_95, %dma_start3A_96] : memref<57344x768xf32, #tpu.memory_space<hbm>> -> memref<56x768xf32, #tpu.memory_space<hbm>>
      %dma_start3A_98 = arith.constant 0 : i32
      %dma_start3A_99 = tpu.memref_slice %arg4[%mul3A_95, %dma_start3A_98] : memref<57344x768xf32, #tpu.memory_space<hbm>> -> memref<56x768xf32, #tpu.memory_space<hbm>>
      tpu.enqueue_dma source(%arg7 : memref<56x768xf32, #tpu.memory_space<vmem>>) target(%dma_start3A_99 : memref<56x768xf32, #tpu.memory_space<hbm>>) target_semaphore(%arg11 : memref<!tpu.dma_semaphore, #tpu.memory_space<semaphore_mem>>)
      %add3A_100 = arith.constant 1 : i32
      %add3A_101 = arith.addi %add3A_70, %add3A_100 : i32
      %dma_wait3A_102 = arith.constant 0 : i32
      %dma_wait3A_103 = tpu.memref_slice %arg5[%add3A_101, %dma_wait3A_102] : memref<32x56xi32, #tpu.memory_space<vmem>> -> memref<1x56xi32, #tpu.memory_space<vmem>>
      %dma_wait3A_104 = tpu.memref_squeeze %dma_wait3A_103 : memref<1x56xi32, #tpu.memory_space<vmem>> -> memref<56xi32, #tpu.memory_space<vmem>>
      %dma_wait3A_105 = arith.constant 0 : i32
      %dma_wait3A_106 = arith.constant 0 : i32
      %dma_wait3A_107 = tpu.memref_slice %arg3[%dma_wait3A_105, %dma_wait3A_106] : memref<30522x768xf32, #tpu.memory_space<hbm>> -> memref<30522x768xf32, #tpu.memory_space<hbm>>
      tpu.wait_indirect_dma semaphore(%arg8 : memref<!tpu.dma_semaphore, #tpu.memory_space<semaphore_mem>>) src(%dma_wait3A_107 : memref<30522x768xf32, #tpu.memory_space<hbm>>) dst(%arg6 : memref<56x768xf32, #tpu.memory_space<vmem>>)
      %add3A_108 = arith.addi %mul3A_2, %add3A_70 : i32
      %mul3A_109 = arith.constant 56 : i32
      %mul3A_110 = arith.muli %add3A_108, %mul3A_109 : i32
      %dma_wait3A_111 = arith.constant 0 : i32
      %dma_wait3A_112 = tpu.memref_slice %arg4[%mul3A_110, %dma_wait3A_111] : memref<57344x768xf32, #tpu.memory_space<hbm>> -> memref<56x768xf32, #tpu.memory_space<hbm>>
      %dma_wait3A_113 = arith.constant 0 : i32
      %dma_wait3A_114 = tpu.memref_slice %arg4[%mul3A_110, %dma_wait3A_113] : memref<57344x768xf32, #tpu.memory_space<hbm>> -> memref<56x768xf32, #tpu.memory_space<hbm>>
      tpu.wait_dma2 semaphore(%arg11 : memref<!tpu.dma_semaphore, #tpu.memory_space<semaphore_mem>>) src(%arg7 : memref<56x768xf32, #tpu.memory_space<vmem>>) dst(%dma_wait3A_114 : memref<56x768xf32, #tpu.memory_space<hbm>>)
      %add3A_115 = arith.constant 2 : i32
      %add3A_116 = arith.addi %add3A_70, %add3A_115 : i32
      %dma_start3A_117 = arith.constant 0 : i32
      %dma_start3A_118 = tpu.memref_slice %arg5[%add3A_116, %dma_start3A_117] : memref<32x56xi32, #tpu.memory_space<vmem>> -> memref<1x56xi32, #tpu.memory_space<vmem>>
      %dma_start3A_119 = tpu.memref_squeeze %dma_start3A_118 : memref<1x56xi32, #tpu.memory_space<vmem>> -> memref<56xi32, #tpu.memory_space<vmem>>
      %dma_start3A_120 = arith.constant 0 : i32
      %dma_start3A_121 = arith.constant 0 : i32
      %dma_start3A_122 = tpu.memref_slice %arg3[%dma_start3A_120, %dma_start3A_121] : memref<30522x768xf32, #tpu.memory_space<hbm>> -> memref<30522x768xf32, #tpu.memory_space<hbm>>
      tpu.enqueue_indirect_dma source(%dma_start3A_122 : memref<30522x768xf32, #tpu.memory_space<hbm>>) target(%arg7 : memref<56x768xf32, #tpu.memory_space<vmem>>) offsets(%dma_start3A_119 : memref<56xi32, #tpu.memory_space<vmem>>) semaphore(%arg9 : memref<!tpu.dma_semaphore, #tpu.memory_space<semaphore_mem>>)
      %add3A_123 = arith.constant 1 : i32
      %add3A_124 = arith.addi %add3A_70, %add3A_123 : i32
      %add3A_125 = arith.addi %mul3A_2, %add3A_124 : i32
      %mul3A_126 = arith.constant 56 : i32
      %mul3A_127 = arith.muli %add3A_125, %mul3A_126 : i32
      %dma_start3A_128 = arith.constant 0 : i32
      %dma_start3A_129 = tpu.memref_slice %arg4[%mul3A_127, %dma_start3A_128] : memref<57344x768xf32, #tpu.memory_space<hbm>> -> memref<56x768xf32, #tpu.memory_space<hbm>>
      %dma_start3A_130 = arith.constant 0 : i32
      %dma_start3A_131 = tpu.memref_slice %arg4[%mul3A_127, %dma_start3A_130] : memref<57344x768xf32, #tpu.memory_space<hbm>> -> memref<56x768xf32, #tpu.memory_space<hbm>>
      tpu.enqueue_dma source(%arg6 : memref<56x768xf32, #tpu.memory_space<vmem>>) target(%dma_start3A_131 : memref<56x768xf32, #tpu.memory_space<hbm>>) target_semaphore(%arg10 : memref<!tpu.dma_semaphore, #tpu.memory_space<semaphore_mem>>)
    }
    %scan3A_34 = arith.constant 15 : i32
    %dma_wait3A_35 = arith.constant 31 : i32
    %dma_wait3A_36 = arith.constant 0 : i32
    %dma_wait3A_37 = tpu.memref_slice %arg5[%dma_wait3A_35, %dma_wait3A_36] : memref<32x56xi32, #tpu.memory_space<vmem>> -> memref<1x56xi32, #tpu.memory_space<vmem>>
    %dma_wait3A_38 = tpu.memref_squeeze %dma_wait3A_37 : memref<1x56xi32, #tpu.memory_space<vmem>> -> memref<56xi32, #tpu.memory_space<vmem>>
    %dma_wait3A_39 = arith.constant 0 : i32
    %dma_wait3A_40 = arith.constant 0 : i32
    %dma_wait3A_41 = tpu.memref_slice %arg3[%dma_wait3A_39, %dma_wait3A_40] : memref<30522x768xf32, #tpu.memory_space<hbm>> -> memref<30522x768xf32, #tpu.memory_space<hbm>>
    tpu.wait_indirect_dma semaphore(%arg9 : memref<!tpu.dma_semaphore, #tpu.memory_space<semaphore_mem>>) src(%dma_wait3A_41 : memref<30522x768xf32, #tpu.memory_space<hbm>>) dst(%arg7 : memref<56x768xf32, #tpu.memory_space<vmem>>)
    %add3A_42 = arith.constant 30 : i32
    %add3A_43 = arith.addi %mul3A_2, %add3A_42 : i32
    %mul3A_44 = arith.constant 56 : i32
    %mul3A_45 = arith.muli %add3A_43, %mul3A_44 : i32
    %dma_wait3A_46 = arith.constant 0 : i32
    %dma_wait3A_47 = tpu.memref_slice %arg4[%mul3A_45, %dma_wait3A_46] : memref<57344x768xf32, #tpu.memory_space<hbm>> -> memref<56x768xf32, #tpu.memory_space<hbm>>
    %dma_wait3A_48 = arith.constant 0 : i32
    %dma_wait3A_49 = tpu.memref_slice %arg4[%mul3A_45, %dma_wait3A_48] : memref<57344x768xf32, #tpu.memory_space<hbm>> -> memref<56x768xf32, #tpu.memory_space<hbm>>
    tpu.wait_dma2 semaphore(%arg10 : memref<!tpu.dma_semaphore, #tpu.memory_space<semaphore_mem>>) src(%arg6 : memref<56x768xf32, #tpu.memory_space<vmem>>) dst(%dma_wait3A_49 : memref<56x768xf32, #tpu.memory_space<hbm>>)
    %add3A_50 = arith.constant 31 : i32
    %add3A_51 = arith.addi %mul3A_2, %add3A_50 : i32
    %mul3A_52 = arith.constant 56 : i32
    %mul3A_53 = arith.muli %add3A_51, %mul3A_52 : i32
    %dma_start3A_54 = arith.constant 0 : i32
    %dma_start3A_55 = tpu.memref_slice %arg4[%mul3A_53, %dma_start3A_54] : memref<57344x768xf32, #tpu.memory_space<hbm>> -> memref<56x768xf32, #tpu.memory_space<hbm>>
    %dma_start3A_56 = arith.constant 0 : i32
    %dma_start3A_57 = tpu.memref_slice %arg4[%mul3A_53, %dma_start3A_56] : memref<57344x768xf32, #tpu.memory_space<hbm>> -> memref<56x768xf32, #tpu.memory_space<hbm>>
    tpu.enqueue_dma source(%arg7 : memref<56x768xf32, #tpu.memory_space<vmem>>) target(%dma_start3A_57 : memref<56x768xf32, #tpu.memory_space<hbm>>) target_semaphore(%arg11 : memref<!tpu.dma_semaphore, #tpu.memory_space<semaphore_mem>>)
    %add3A_58 = arith.constant 31 : i32
    %add3A_59 = arith.addi %mul3A_2, %add3A_58 : i32
    %mul3A_60 = arith.constant 56 : i32
    %mul3A_61 = arith.muli %add3A_59, %mul3A_60 : i32
    %dma_wait3A_62 = arith.constant 0 : i32
    %dma_wait3A_63 = tpu.memref_slice %arg4[%mul3A_61, %dma_wait3A_62] : memref<57344x768xf32, #tpu.memory_space<hbm>> -> memref<56x768xf32, #tpu.memory_space<hbm>>
    %dma_wait3A_64 = arith.constant 0 : i32
    %dma_wait3A_65 = tpu.memref_slice %arg4[%mul3A_61, %dma_wait3A_64] : memref<57344x768xf32, #tpu.memory_space<hbm>> -> memref<56x768xf32, #tpu.memory_space<hbm>>
    tpu.wait_dma2 semaphore(%arg11 : memref<!tpu.dma_semaphore, #tpu.memory_space<semaphore_mem>>) src(%arg7 : memref<56x768xf32, #tpu.memory_space<vmem>>) dst(%dma_wait3A_65 : memref<56x768xf32, #tpu.memory_space<hbm>>)
    return
  }
}

module attributes {stable_mosaic.version = 14 : i64} {
  func.func @body(%arg0: i32, %arg1: memref<896x768xf32, #tpu.memory_space<vmem>>, %arg2: memref<16x50x768xf32, #tpu.memory_space<vmem>>, %arg3: memref<16x50xf32, #tpu.memory_space<vmem>>) attributes {dimension_semantics = [#tpu.dimension_semantics<arbitrary>], iteration_bounds = array<i64: 64>, scalar_prefetch = 0 : i64, scratch_operands = 0 : i64, tpu.core_type = #tpu.core_type<tc>, window_params = [{transform_indices = @transform_0, window_bounds = array<i64: 896, 768>}, {transform_indices = @transform_1, window_bounds = array<i64: 16, 50, 768>}, {transform_indices = @transform_2, window_bounds = array<i64: 16, 50>}]} {
    %get3A = arith.constant 0 : index
    %get3A_0 = arith.constant 0 : index
    %get3A_1 = vector.load %arg1[%get3A, %get3A_0] : memref<896x768xf32, #tpu.memory_space<vmem>>, vector<896x768xf32>
    %reshape3A = vector.shape_cast %get3A_1 : vector<896x768xf32> to vector<16x56x768xf32>
    %slice3A = vector.extract_strided_slice %reshape3A {offsets = [0, 0, 0], sizes = [16, 50, 768], strides = [1, 1, 1]} : vector<16x56x768xf32> to vector<16x50x768xf32>
    %swap3A = arith.constant 0 : index
    %swap3A_2 = arith.constant 0 : index
    %swap3A_3 = arith.constant 0 : index
    %swap3A_4 = vector.load %arg2[%swap3A, %swap3A_2, %swap3A_3] : memref<16x50x768xf32, #tpu.memory_space<vmem>>, vector<16x50x768xf32>
    tpu.vector_store %arg2[%swap3A, %swap3A_2, %swap3A_3], %slice3A {strides = array<i32>} : memref<16x50x768xf32, #tpu.memory_space<vmem>>, vector<16x50x768xf32>,
    %iota3A = tpu.iota {dimensions = array<i32: 1>} : vector<16x50xi32>
    %convert_element_type3A = arith.sitofp %iota3A : vector<16x50xi32> to vector<16x50xf32>
    %mul3A = arith.constant 0.0204081628 : f32
    %mul3A_5 = vector.broadcast %mul3A : f32 to vector<16x50xf32>
    %mul3A_6 = arith.mulf %convert_element_type3A, %mul3A_5 : vector<16x50xf32>
    %swap3A_7 = arith.constant 0 : index
    %swap3A_8 = arith.constant 0 : index
    %swap3A_9 = vector.load %arg3[%swap3A_7, %swap3A_8] : memref<16x50xf32, #tpu.memory_space<vmem>>, vector<16x50xf32>
    tpu.vector_store %arg3[%swap3A_7, %swap3A_8], %mul3A_6 {strides = array<i32>} : memref<16x50xf32, #tpu.memory_space<vmem>>, vector<16x50xf32>,
    return
  }
  func.func @transform_0(%arg0: i32) -> (i32, i32) {
    %c0_i32 = arith.constant 0 : i32
    %c0_i32_0 = arith.constant 0 : i32
    return %arg0, %c0_i32 : i32, i32
  }
  func.func @transform_1(%arg0: i32) -> (i32, i32, i32) {
    %c0_i32 = arith.constant 0 : i32
    %c0_i32_0 = arith.constant 0 : i32
    %c0_i32_1 = arith.constant 0 : i32
    return %arg0, %c0_i32, %c0_i32_0 : i32, i32, i32
  }
  func.func @transform_2(%arg0: i32) -> (i32, i32) {
    %c0_i32 = arith.constant 0 : i32
    %c0_i32_0 = arith.constant 0 : i32
    return %arg0, %c0_i32 : i32, i32
  }
}

</mosaic_0001>

<sc_bundles>
// kernel: kernel.4.cloned.1.call-start
scs
__scs_entry_jumppad:
0x0: {  	(pc) =	sbr.rel $0x88, $3  }
0x1: {  	(tag) =	ssettag $0x0;
	lr =	simm.s32 $0x1  }
0x2: {  	[smem:$0x3F9F] =	sst lr;
	_ =	strace $0xD0000000  }
0x3: {  	_ = 	snop  }
0x4: {  	_ = 	snop  }
0x5: {  	_ = 	snop  }
0x6: {  	_ = 	snop  }
0x7: {  	_ = 	snop  }
__scs_overlays_trampoline_lowered:
0x8: {  	[smem:$0x3FAE] =	sst s0  }
0x9: {  	[smem:$0x3FAF] =	sst s1  }
0xa: {  	[smem:$0x3FB0] =	sst s2  }
0xb: {  	[smem:$0x3FB1] =	sst s3  }
0xc: {  	[smem:$0x3FB2] =	sst s4  }
0xd: {  	[smem:$0x3FB3] =	sst s5  }
0xe: {  	[smem:$0x3FB4] =	sst s6  }
0xf: {  	[smem:$0x3FB5] =	sst s7  }
0x10: {  	[smem:$0x3FB6] =	sst s8  }
0x11: {  	[smem:$0x3FB7] =	sst s9;
	s0 =	simm.s32 @!p0 $0x0  }
0x12: {  	s1 =	sld [smem:$0x3F9D];
	s0 =	simm.s32 @p0 $0x1  }
0x13: {  	[smem:$0x3FB8] =	sst s0;
	s0 =	simm.s32 @!p1 $0x0  }
0x14: {  	s2 =	sld [smem:$0x3F9C];
	s0 =	simm.s32 @p1 $0x1  }
0x15: {  	[smem:$0x3FB9] =	sst s0;
	s0 =	simm.s32 @!p2 $0x0  }
0x16: {  	s3 =	sld [smem:$0x3FDB];
	s0 =	simm.s32 @p2 $0x1  }
0x17: {  	s4 =	simm.s32 $0x1BF5;
	[smem:$0x3FBB] =	sst s0  }
0x18: {  	s0 =	sld [smem:$0x3F9E];
	_ =	swait.ge [sflag:s4], $0x0  }
0x19: {  	s7 =	sld [smem:$0x3F9F]  }
0x1a: {  	s8 =	sadd.s32 $0xFFFFE003, lr  }
0x1b: {  	s9 =	sadd.s32 $0xFFFFFEF7, lr;
	s5 =	simm.s32 $0xFFFFFFFF;
	p2 =	slt.u32 s8, $0xFFFFF086  }
0x1c: {  	p1 =	slt.u32 s9, $0xF7A;
	s5 =	simm.s32 @!p2 $0x0  }
0x1d: {  	s5 =	simm.s32 @p1 $0x1;
	p0 =	seq.s32 s7, s2  }
0x1e: {  	s7 =	smul.u32 @!p0 $0xF7A, s2;
	p2 =	seq.s32 @!p0 s5, $0x0  }
0x1f: {  	s9 =	smul.u32 $0xF7A, s1;
	s8 =	simm.s32 @!p0 $0x1BF5;
	p2 =	por !p2, p0  }
0x20: {  	[sflag:s8] =	ssyncset.s32 @!p0 $0xFFFFF086;
	s6 =	sadd.s32 @!p0 s3, s7;
	s7 =	simm.s32 @!p0 $0x108  }
0x21: {  	s3 =	sadd.s32 s3, s9;
	s6 =	sadd.s32 @!p0 $0x88, s6;
	s7 =	simm.s32 @p2 $0x1082  }
0x22: {  	[simem:s7], [sflag:s8] =	dma.local @!p0 [hbm:s6], $0xF7A  }
0x23: {  	s9 =	sor.u32 $0xD0000000, s2;
	s6 =	simm.s32 $0x108;
	_ =	swait.ge @!p0 [sflag:s8], $0x0  }
0x24: {  	s3 =	sadd.s32 $0x88, s3;
	s6 =	simm.s32 @!p1 $0x1082;
	[sflag:s4] =	ssyncset.s32 $0xFFFFF086  }
0x25: {  	[simem:s6], [sflag:s4] =	dma.local [hbm:s3], $0xF7A  }
0x26: {  	[smem:$0x3F9F] =	sst s1;
	(tag) =	ssettag s2;
	_ =	strace s9  }
0x27: {  	s1 =	sld [smem:$0x3FAF]  }
0x28: {  	s2 =	sld [smem:$0x3FB0]  }
0x29: {  	s4 =	sld [smem:$0x3FB2]  }
0x2a: {  	p0 =	seq.s32 s5, $0x0;
	s5 =	sld [smem:$0x3FB3]  }
0x2b: {  	s6 =	sld [smem:$0x3FB4]  }
0x2c: {  	s7 =	sld [smem:$0x3FB5]  }
0x2d: {  	s3 =	simm.s32 $0x108;
	s8 =	sld [smem:$0x3FB6]  }
0x2e: {  	s3 =	simm.s32 @!p0 $0x1082;
	s9 =	sld [smem:$0x3FB7]  }
0x2f: {  	lr =	sadd.s32 s0, s3;
	s0 =	sld [smem:$0x3FAE]  }
0x30: {  	s3 =	sld [smem:$0x3FB1]  }
0x31: {  	[smem:$0x3FBA] =	sst s10  }
0x32: {  	s10 =	sld [smem:$0x3FB8];
	_ =	sdelay $0x3  }
0x33: {  	p0 =	seq.s32 s10, $0x1;
	s10 =	sld [smem:$0x3FBA];
	_ =	sdelay $0x3  }
0x34: {  	[smem:$0x3FBA] =	sst s10  }
0x35: {  	s10 =	sld [smem:$0x3FB9];
	_ =	sdelay $0x3  }
0x36: {  	p1 =	seq.s32 s10, $0x1;
	s10 =	sld [smem:$0x3FBA];
	_ =	sdelay $0x3  }
0x37: {  	[smem:$0x3FBA] =	sst s10  }
0x38: {  	s10 =	sld [smem:$0x3FBB]  }
0x39: {  	_ = 	snop;
	(pc) =	sbr.ind lr, $3  }
0x3a: {  	_ = 	snop  }
0x3b: {  	_ = 	snop  }
0x3c: {  	p2 =	seq.s32 s10, $0x1;
	s10 =	sld [smem:$0x3FBA]  }
0x3d: {  	_ =	shalt  }
0x3e: {  	_ =	shalt  }
0x3f: {  	_ =	shalt  }
0x40: {  	_ =	shalt  }
0x41: {  	_ =	shalt  }
0x42: {  	_ =	shalt  }
0x43: {  	_ =	shalt  }
0x44: {  	_ =	shalt  }
0x45: {  	_ =	shalt  }
0x46: {  	_ =	shalt  }
0x47: {  	_ =	shalt  }
0x48: {  	_ =	shalt  }
0x49: {  	_ =	shalt  }
0x4a: {  	_ =	shalt  }
0x4b: {  	_ =	shalt  }
0x4c: {  	_ =	shalt  }
0x4d: {  	_ =	shalt  }
0x4e: {  	_ =	shalt  }
0x4f: {  	_ =	shalt  }
0x50: {  	_ =	shalt  }
0x51: {  	_ =	shalt  }
0x52: {  	_ =	shalt  }
0x53: {  	_ =	shalt  }
0x54: {  	_ =	shalt  }
0x55: {  	_ =	shalt  }
0x56: {  	_ =	shalt  }
0x57: {  	_ =	shalt  }
0x58: {  	_ =	shalt  }
0x59: {  	_ =	shalt  }
0x5a: {  	_ =	shalt  }
0x5b: {  	_ =	shalt  }
0x5c: {  	_ =	shalt  }
0x5d: {  	_ =	shalt  }
0x5e: {  	_ =	shalt  }
0x5f: {  	_ =	shalt  }
0x60: {  	_ =	shalt  }
0x61: {  	_ =	shalt  }
0x62: {  	_ =	shalt  }
0x63: {  	_ =	shalt  }
0x64: {  	_ =	shalt  }
0x65: {  	_ =	shalt  }
0x66: {  	_ =	shalt  }
0x67: {  	_ =	shalt  }
0x68: {  	_ =	shalt  }
0x69: {  	_ =	shalt  }
0x6a: {  	_ =	shalt  }
0x6b: {  	_ =	shalt  }
0x6c: {  	_ =	shalt  }
0x6d: {  	_ =	shalt  }
0x6e: {  	_ =	shalt  }
0x6f: {  	_ =	shalt  }
0x70: {  	_ =	shalt  }
0x71: {  	_ =	shalt  }
0x72: {  	_ =	shalt  }
0x73: {  	_ =	shalt  }
0x74: {  	_ =	shalt  }
0x75: {  	_ =	shalt  }
0x76: {  	_ =	shalt  }
0x77: {  	_ =	shalt  }
0x78: {  	_ =	shalt  }
0x79: {  	_ =	shalt  }
0x7a: {  	_ =	shalt  }
0x7b: {  	_ =	shalt  }
0x7c: {  	_ =	shalt  }
0x7d: {  	_ =	shalt  }
0x7e: {  	_ =	shalt  }
0x7f: {  	_ =	shalt  }
0x80: {  	_ =	shalt  }
0x81: {  	_ =	shalt  }
0x82: {  	_ =	shalt  }
0x83: {  	_ =	shalt  }
0x84: {  	_ =	shalt  }
0x85: {  	_ =	shalt  }
0x86: {  	_ =	shalt  }
0x87: {  	_ =	shalt  }
.Lfunc_end0:
.L_simem_size_0:
called_computation_lowered:
.L_overlay_start_0:
0x88: {  	s2 =	sld [smem:$0x3FD9]  }
0x89: {  	s3 =	sld [smem:$0x3FFE];
	_ =	sdelay $0x1  }
0x8a: {  	s1 =	srdreg.scid  }
0x8b: {  	s0 =	sand.u32 $0x1, s1  }
0x8c: {  	s14 =	sshll.u32 s0, $0xA;
	s2 =	sadd.s32 s3, s2  }
0x8d: {  	s2 =	sadd.s32 s2, s14  }
0x8e: {  	[smem:$0x3FC6] =	sst s2  }
0x8f: {  	_ = 	snop  }
0x90: {  	s2 =	sld [smem:$0x3FD0];
	_ =	sdelay $0x2  }
0x91: {  	s4 =	simm.s32 $0xA;
	s5 =	simm.s32 $0x10;
	s15 =	sld [smem:$0x3FC8]  }
0x92: {  	[smem:s5], [sflag:s4] =	dma.local [hbm:s2], $0x1  }
0x93: {  	_ =	swait.eq [sflag:s4], $0x1  }
0x94: {  	[sflag:s4] =	ssyncset.done $0x0  }
0x95: {  	[sflag:s4] =	ssyncadd.s32 $0xFFFFFFFF  }
0x96: {  	s16 =	sld [smem:$0x10];
	(tm) =	ssettm $0x1  }
0x97: {  	s17 =	sld [smem:$0x3FFB];
	_ =	sdelay $0x3  }
0x98: {  	_ =	strace s17  }
0x99: {  	s4 =	sld [smem:$0x3FFC];
	_ =	sdelay $0x3  }
0x9a: {  	_ =	strace s4  }
0x9b: {  	s4 =	sld [smem:$0x3FFD];
	_ =	sdelay $0x3  }
0x9c: {  	_ =	strace s4  }
0x9d: {  	_ =	strace $0x8FFFFFFF  }
0x9e: {  	s18 =	sld [smem:$0x3FDB];
	_ =	sdelay $0x1  }
0x9f: {  	s19 =	simm.s32 $_scs_section_size  }
0xa0: {  	s6 =	simm.s32 $_size__tile_overlayer_lowered;
	s7 =	simm.s32 $_tile_overlayer_lowered  }
0xa1: {  	s22 =	simm.s32 $0x1BFF;
	s21 =	sshll.u32 s7, $0x1;
	s4 =	sadd.s32 s19, s18  }
0xa2: {  	s8 =	simm.s32 $0x0;
	s20 =	sshll.u32 s6, $0x1;
	s6 =	sadd.s32 s21, s4  }
0xa3: {  	[timem:s8], [sflag:s22] =	dma.local [hbm:s6], s20  }
0xa4: {  	_ =	swait.ge [sflag:s22], s20  }
0xa5: {  	s5 =	ssub.s32 $0x0, s20;
	[sflag:s22] =	ssyncset.done $0x0  }
0xa6: {  	[sflag:s22] =	ssyncadd.s32 s5;
	_ =	sdelay $0x1  }
0xa7: {  	s23 =	simm.s32 $0x1B8B  }
0xa8: {  	_ =	swait.ge [sflag:s23], $0x1  }
0xa9: {  	[sflag:s23] =	ssyncset.done $0x0  }
0xaa: {  	s25 =	simm.s32 $0x1B8E;
	s24 =	sld [smem:$0x3FFE];
	[sflag:s23] =	ssyncadd.s32 $0xFFFFFFFF  }
0xab: {  	s26 =	simm.s32 $execute0_lowered;
	[smem:$0x3FD2] =	sst s25  }
0xac: {  	s6 =	sshll.u32 s26, $0x1;
	_ =	strace $0x80000046;
	[dreg:$0x1] =	wrdreg $0xFFFFFFFF  }
0xad: {  	s28 =	simm.s32 $_size_execute0_lowered;
	s4 =	sadd.s32 s4, s6;
	[dreg:$0x0] =	wrdreg $0x0  }
0xae: {  	s6 =	sshll.u32 s28, $0x1;
	[dreg:$0x2] =	wrdreg s4  }
0xaf: {  	[dreg:$0x3] =	wrdreg s6  }
0xb0: {  	[dreg:$0x4] =	wrdreg $0xC0  }
0xb1: {  	_ =	task [dreg:s8], $0x5FFFF  }
0xb2: {  	[dreg:$0x1] =	wrdreg $0xFFFFFFFF  }
0xb3: {  	[dreg:$0x0] =	wrdreg $0x60  }
0xb4: {  	[dreg:$0x2] =	wrdreg s16  }
0xb5: {  	[dreg:$0x3] =	wrdreg s15  }
0xb6: {  	[dreg:$0x4] =	wrdreg s24  }
0xb7: {  	[dreg:$0x5] =	wrdreg $0x9  }
0xb8: {  	_ =	task.clear_ibuf [dreg:s8], $0x6FFFF;
	_ =	strace $0x90000046  }
0xb9: {  	s29 =	simm.s32 $0x9;
	_ =	strace $0x80000048  }
0xba: {  	_ =	swait.ge [sflag:s29], $0x1  }
0xbb: {  	[sflag:s29] =	ssyncadd.s32 $0xFFFFFFFF  }
0xbc: {  	_ =	strace $0x90000048  }
0xbd: {  	_ =	sfence  }
0xbe: {  	s30 =	sld [smem:$0x0];
	_ =	sdelay $0x2  }
0xbf: {  	s31 =	sshll.u32 s1, $0xD;
	s1 =	sshrl.u32 s1, $0x2  }
0xc0: {  	s3 =	sand.u32 $0x4000, s31;
	s1 =	sadd.s32 s1, s30  }
0xc1: {  	s0 =	sor.u32 s3, s0;
	s1 =	sshll.u32 s1, $0x11  }
0xc2: {  	s0 =	sor.u32 s1, s0  }
0xc3: {  	s0 =	sadd.s32 $0x8F2B, s0  }
0xc4: {  	[sflag:s0] =	ssyncadd.remote.s32 $0x1  }
0xc5: {  	_ =	sfence.sel $0xFFFF  }
0xc6: {  	[dreg:$0x0] =	wrdreg $0xFFFFFFFF;
	(pc) =	sbr.abs _section_cstart, $3  }
0xc7: {  	[dreg:$0x1] =	wrdreg $0xFFFFFFFF  }
0xc8: {  	_ =	task.clear_ibuf [dreg:s8], $0x2FFFF;
	_ =	strace $0x9FFFFFFF  }
0xc9: {  	(tm) =	ssettm $0x7FFFFFFF  }
tec
execute0_lowered:
.L_overlay_start_1:
0x0: {  	(tag) =	ssettag $0x1  }
0x1: {  	s0 =	rddreg [dreg:$0x0]  }
0x2: {  	s2 =	rddreg [dreg:$0x1]  }
0x3: {  	s1 =	rddreg [dreg:$0x2];
	s4 =	srdreg.scid  }
0x4: {  	s10 =	stileid.u32;
	s3 =	simm.s32 $0x0;
	s28 =	simm.s32 $0x1000  }
0x5: {  	s12 =	simm.s32 $0x3800;
	s13 =	simm.s32 $0x4000;
	s14 =	simm.s32 $0x4800  }
0x6: {  	s15 =	simm.s32 $0x5000;
	s16 =	simm.s32 $0x5800;
	s17 =	simm.s32 $0x6000  }
0x7: {  	s18 =	simm.s32 $0x6800;
	s19 =	simm.s32 $0x7000;
	s20 =	simm.s32 $0x7800  }
0x8: {  	s21 =	simm.s32 $0x8000;
	s22 =	simm.s32 $0x8800;
	s11 =	simm.s32 $0xB800  }
0x9: {  	s29 =	simm.s32 $0x2;
	s30 =	simm.s32 $0x3;
	s31 =	simm.s32 $0x4  }
0xa: {  	s4 =	sand.u32 $0x1, s4;
	s5 =	sshll.u32 s10, $0x1;
	[smem:$0x7FF] =	sst s3  }
0xb: {  	s1 =	sadd.s32 $0x600, s1;
	s24 =	smul.u32 $0x54000, s10;
	s10 =	simm.s32 $0x3000  }
0xc: {  	s6 =	ssub.s32 $0x2, s4;
	s5 =	sor.u32 s4, s5;
	s4 =	smul.u32 $0x2A000, s4  }
0xd: {  	_ =	strace $0x80000047;
	s7 =	sshrl.u32 s6, $0x1;
	s8 =	smul.u32 $0x700, s5  }
0xe: {  	s9 =	smul.u32 $0x2A000, s5;
	s5 =	sshll.u32 s5, $0x9;
	s7 =	ssub.s32 s6, s7  }
0xf: {  	s0 =	sadd.s32 s0, s5;
	s5 =	sadd.s32 $0x100, s2;
	s6 =	sadd.s32 $0x200, s2  }
0x10: {  	s23 =	sadd.s32 $0x6C8, s8;
	[dreg:$0x5] =	wrdreg s0;
	s8 =	sadd.s32 s24, s1  }
0x11: {  	s9 =	sadd.s32 s1, s9;
	s26 =	smax.u32 s7, $0x1;
	s7 =	simm.s32 $0x2800  }
0x12: {  	s24 =	simm.s32 $0x9800;
	s25 =	sshrl.u32 s23, $0x3;
	[dreg:$0x6] =	wrdreg s9  }
0x13: {  	s4 =	sadd.s32 s4, s8;
	[dreg:$0x8] =	wrdreg s26;
	s0 =	smul.u32 $0x300, s25  }
0x14: {  	s8 =	simm.s32 $0x1800;
	s9 =	simm.s32 $0x2000;
	s23 =	simm.s32 $0x9000  }
0x15: {  	v2 =	vlaneseq.u32;
	s26 =	simm.s32 $0xA800;
	[dreg:$0x4] =	wrdreg s4;
	s0 =	sadd.s32 s1, s0  }
0x16: {  	vm0 =	vmmov $0xffff;
	v1 =	vshrl.u32 v2, $0x3;
	s25 =	simm.s32 $0xA000;
	[dreg:$0x7] =	wrdreg s0;
	s0 =	simm.s32 $0x0  }
0x17: {  	v0 =	vand.u32 $0x7, v2;
	v2 =	vor.u32 $0x8, v2;
	v1 =	vmul.u32 $0x8, v1;
	s4 =	simm.s32 $0xB000;
	s1 =	simm.s32 $0x1;
	[dreg:$0x9] =	wrdreg s0  }
.LBB2_1:
0x18: {  	s0 =	rddreg [dreg:$0x5]  }
0x19: {  	[tilespmem:s3], [sflag:$0x5] =	stream.linear.gather [hbm4b:s0+s3], $0x1000, $0x38;
	[tilespmem:$0x16000] =	vst v63  }
0x1a: {  	s0 =	simm.s32 $0x5  }
0x1b: {  	_ =	swait.ge [sflag:s0], $0x1000  }
0x1c: {  	[sflag:s0] =	ssyncset.done $0x0  }
0x1d: {  	[sflag:s0] =	ssyncadd.s32 $0xFFFFF000  }
0x1e: {  	v3 =	vld [tilespmem:$0x0];
	_ =	sdelay $0x4  }
0x1f: {  	v4 =	vshrl.u32 v3, $0x3  }
0x20: {  	v4 =	vmul.u32 $0x30, v4  }
0x21: {  	v3 =	vand.u32 $0x7, v3  }
0x22: {  	v3 =	vor.u32 v3, v4  }
0x23: {  	v4 =	vperm.xlane v3, v0;
	_ =	sdelay $0x1  }
0x24: {  	v4 =	vadd.s32 v1, v4;
	_ =	sdelay $0x3  }
0x25: {  	v3 =	vperm.xlane v3, v2  }
0x26: {  	[tilespmem:s28], [sflag:$0x1] =	stream.indirect_vreg.gather [hbm4b:s2+s3], $0x80, v4, vm0, $0xb8;
	[tilespmem:$0x16000] =	vst v63  }
0x27: {  	v3 =	vadd.s32 v1, v3  }
0x28: {  	[tilespmem:s8], [sflag:$0x1] =	stream.indirect_vreg.gather [hbm4b:s5+s3], $0x80, v4, vm0, $0xb8;
	[tilespmem:$0x16000] =	vst v63  }
0x29: {  	_ = 	snop  }
0x2a: {  	[tilespmem:s9], [sflag:$0x1] =	stream.indirect_vreg.gather [hbm4b:s6+s3], $0x80, v4, vm0, $0xb8;
	[tilespmem:$0x16000] =	vst v63  }
0x2b: {  	_ = 	snop  }
0x2c: {  	[tilespmem:s7], [sflag:$0x1] =	stream.indirect_vreg.gather [hbm4b:s2+s3], $0x80, v3, vm0, $0xb8;
	[tilespmem:$0x16000] =	vst v63  }
0x2d: {  	_ = 	snop  }
0x2e: {  	[tilespmem:s10], [sflag:$0x1] =	stream.indirect_vreg.gather [hbm4b:s5+s3], $0x80, v3, vm0, $0xb8;
	[tilespmem:$0x16000] =	vst v63  }
0x2f: {  	_ = 	snop  }
0x30: {  	[tilespmem:s12], [sflag:$0x1] =	stream.indirect_vreg.gather [hbm4b:s6+s3], $0x80, v3, vm0, $0xb8;
	[tilespmem:$0x16000] =	vst v63  }
0x31: {  	v3 =	vld [tilespmem:$0x10];
	_ =	sdelay $0x4  }
0x32: {  	v57 =	vshrl.u32 v3, $0x3  }
0x33: {  	v4 =	vmul.u32 $0x30, v57  }
0x34: {  	v3 =	vand.u32 $0x7, v3  }
0x35: {  	v3 =	vor.u32 v3, v4  }
0x36: {  	v4 =	vperm.xlane v3, v0;
	_ =	sdelay $0x1  }
0x37: {  	v4 =	vadd.s32 v1, v4;
	_ =	sdelay $0x3  }
0x38: {  	v3 =	vperm.xlane v3, v2  }
0x39: {  	[tilespmem:s13], [sflag:$0x1] =	stream.indirect_vreg.gather [hbm4b:s2+s3], $0x80, v4, vm0, $0xb8;
	[tilespmem:$0x16000] =	vst v63  }
0x3a: {  	v3 =	vadd.s32 v1, v3  }
0x3b: {  	[tilespmem:s14], [sflag:$0x1] =	stream.indirect_vreg.gather [hbm4b:s5+s3], $0x80, v4, vm0, $0xb8;
	[tilespmem:$0x16000] =	vst v63  }
0x3c: {  	_ = 	snop  }
0x3d: {  	[tilespmem:s15], [sflag:$0x1] =	stream.indirect_vreg.gather [hbm4b:s6+s3], $0x80, v4, vm0, $0xb8;
	[tilespmem:$0x16000] =	vst v63  }
0x3e: {  	_ = 	snop  }
0x3f: {  	[tilespmem:s16], [sflag:$0x1] =	stream.indirect_vreg.gather [hbm4b:s2+s3], $0x80, v3, vm0, $0xb8;
	[tilespmem:$0x16000] =	vst v63  }
0x40: {  	_ = 	snop  }
0x41: {  	[tilespmem:s17], [sflag:$0x1] =	stream.indirect_vreg.gather [hbm4b:s5+s3], $0x80, v3, vm0, $0xb8;
	[tilespmem:$0x16000] =	vst v63  }
0x42: {  	_ = 	snop  }
0x43: {  	[tilespmem:s18], [sflag:$0x1] =	stream.indirect_vreg.gather [hbm4b:s6+s3], $0x80, v3, vm0, $0xb8;
	[tilespmem:$0x16000] =	vst v63  }
0x44: {  	v3 =	vld [tilespmem:$0x20];
	_ =	sdelay $0x4  }
0x45: {  	v58 =	vshrl.u32 v3, $0x3  }
0x46: {  	v4 =	vmul.u32 $0x30, v58  }
0x47: {  	v3 =	vand.u32 $0x7, v3  }
0x48: {  	v3 =	vor.u32 v3, v4  }
0x49: {  	v4 =	vperm.xlane v3, v0;
	_ =	sdelay $0x1  }
0x4a: {  	v4 =	vadd.s32 v1, v4;
	_ =	sdelay $0x3  }
0x4b: {  	v3 =	vperm.xlane v3, v2  }
0x4c: {  	[tilespmem:s19], [sflag:$0x1] =	stream.indirect_vreg.gather [hbm4b:s2+s3], $0x80, v4, vm0, $0xb8;
	[tilespmem:$0x16000] =	vst v63  }
0x4d: {  	v3 =	vadd.s32 v1, v3  }
0x4e: {  	[tilespmem:s20], [sflag:$0x1] =	stream.indirect_vreg.gather [hbm4b:s5+s3], $0x80, v4, vm0, $0xb8;
	[tilespmem:$0x16000] =	vst v63  }
0x4f: {  	_ = 	snop  }
0x50: {  	[tilespmem:s21], [sflag:$0x1] =	stream.indirect_vreg.gather [hbm4b:s6+s3], $0x80, v4, vm0, $0xb8;
	[tilespmem:$0x16000] =	vst v63  }
0x51: {  	_ = 	snop  }
0x52: {  	[tilespmem:s22], [sflag:$0x1] =	stream.indirect_vreg.gather [hbm4b:s2+s3], $0x80, v3, vm0, $0xb8;
	[tilespmem:$0x16000] =	vst v63  }
0x53: {  	_ = 	snop  }
0x54: {  	[tilespmem:s23], [sflag:$0x1] =	stream.indirect_vreg.gather [hbm4b:s5+s3], $0x80, v3, vm0, $0xb8;
	[tilespmem:$0x16000] =	vst v63  }
0x55: {  	_ = 	snop  }
0x56: {  	[tilespmem:s24], [sflag:$0x1] =	stream.indirect_vreg.gather [hbm4b:s6+s3], $0x80, v3, vm0, $0xb8;
	[tilespmem:$0x16000] =	vst v63  }
0x57: {  	v3 =	vld.msk [tilespmem:$0x30], $0xff;
	_ =	sdelay $0x4  }
0x58: {  	v59 =	vshrl.u32 v3, $0x3  }
0x59: {  	v4 =	vmul.u32 $0x30, v59  }
0x5a: {  	v3 =	vand.u32 $0x7, v3  }
0x5b: {  	v3 =	vor.u32 v3, v4  }
0x5c: {  	v3 =	vperm.xlane v3, v0;
	_ =	sdelay $0x1  }
0x5d: {  	v3 =	vadd.s32 v1, v3;
	_ =	sdelay $0x4  }
0x5e: {  	[tilespmem:s25], [sflag:$0x1] =	stream.indirect_vreg.gather [hbm4b:s2+s3], $0x80, v3, vm0, $0xb8;
	[tilespmem:$0x16000] =	vst v63  }
0x5f: {  	_ = 	snop  }
0x60: {  	[tilespmem:s26], [sflag:$0x1] =	stream.indirect_vreg.gather [hbm4b:s5+s3], $0x80, v3, vm0, $0xb8;
	[tilespmem:$0x16000] =	vst v63  }
0x61: {  	_ = 	snop  }
0x62: {  	[tilespmem:s4], [sflag:$0x1] =	stream.indirect_vreg.gather [hbm4b:s6+s3], $0x80, v3, vm0, $0xb8;
	[tilespmem:$0x16000] =	vst v63  }
0x63: {  	_ =	swait.ge [sflag:s1], $0xA800  }
0x64: {  	[sflag:s1] =	ssyncset.done $0x0  }
0x65: {  	[sflag:s1] =	ssyncadd.s32 $0xFFFF5800  }
0x66: {  	v3 =	vld [tilespmem:$0x80];
	_ =	sdelay $0x4  }
0x67: {  	v60 =	vshrl.u32 v3, $0x3  }
0x68: {  	v4 =	vmul.u32 $0x30, v60  }
0x69: {  	v3 =	vand.u32 $0x7, v3  }
0x6a: {  	v3 =	vor.u32 v3, v4  }
0x6b: {  	v4 =	vperm.xlane v3, v0;
	_ =	sdelay $0x1  }
0x6c: {  	v4 =	vadd.s32 v1, v4;
	_ =	sdelay $0x3  }
0x6d: {  	v3 =	vperm.xlane v3, v2  }
0x6e: {  	[tilespmem:s11], [sflag:$0x2] =	stream.indirect_vreg.gather [hbm4b:s2+s3], $0x80, v4, vm0, $0xb8;
	[tilespmem:$0x16000] =	vst v63  }
0x6f: {  	s7 =	simm.s32 $0xC000;
	v3 =	vadd.s32 v1, v3  }
0x70: {  	[tilespmem:s7], [sflag:$0x2] =	stream.indirect_vreg.gather [hbm4b:s5+s3], $0x80, v4, vm0, $0xb8;
	[tilespmem:$0x16000] =	vst v63  }
0x71: {  	s10 =	simm.s32 $0xC800  }
0x72: {  	[tilespmem:s10], [sflag:$0x2] =	stream.indirect_vreg.gather [hbm4b:s6+s3], $0x80, v4, vm0, $0xb8;
	[tilespmem:$0x16000] =	vst v63  }
0x73: {  	s11 =	simm.s32 $0xD000  }
0x74: {  	[tilespmem:s11], [sflag:$0x2] =	stream.indirect_vreg.gather [hbm4b:s2+s3], $0x80, v3, vm0, $0xb8;
	[tilespmem:$0x16000] =	vst v63  }
0x75: {  	s12 =	simm.s32 $0xD800  }
0x76: {  	[tilespmem:s12], [sflag:$0x2] =	stream.indirect_vreg.gather [hbm4b:s5+s3], $0x80, v3, vm0, $0xb8;
	[tilespmem:$0x16000] =	vst v63  }
0x77: {  	s13 =	simm.s32 $0xE000  }
0x78: {  	[tilespmem:s13], [sflag:$0x2] =	stream.indirect_vreg.gather [hbm4b:s6+s3], $0x80, v3, vm0, $0xb8;
	[tilespmem:$0x16000] =	vst v63  }
0x79: {  	v3 =	vld [tilespmem:$0x90];
	_ =	sdelay $0x4  }
0x7a: {  	v61 =	vshrl.u32 v3, $0x3  }
0x7b: {  	v4 =	vmul.u32 $0x30, v61  }
0x7c: {  	v3 =	vand.u32 $0x7, v3  }
0x7d: {  	v3 =	vor.u32 v3, v4  }
0x7e: {  	v4 =	vperm.xlane v3, v0;
	_ =	sdelay $0x1  }
0x7f: {  	v4 =	vadd.s32 v1, v4;
	_ =	sdelay $0x3  }
0x80: {  	s14 =	simm.s32 $0xE800;
	v3 =	vperm.xlane v3, v2  }
0x81: {  	[tilespmem:s14], [sflag:$0x2] =	stream.indirect_vreg.gather [hbm4b:s2+s3], $0x80, v4, vm0, $0xb8;
	[tilespmem:$0x16000] =	vst v63  }
0x82: {  	s15 =	simm.s32 $0xF000;
	v3 =	vadd.s32 v1, v3  }
0x83: {  	[tilespmem:s15], [sflag:$0x2] =	stream.indirect_vreg.gather [hbm4b:s5+s3], $0x80, v4, vm0, $0xb8;
	[tilespmem:$0x16000] =	vst v63  }
0x84: {  	s16 =	simm.s32 $0xF800  }
0x85: {  	[tilespmem:s16], [sflag:$0x2] =	stream.indirect_vreg.gather [hbm4b:s6+s3], $0x80, v4, vm0, $0xb8;
	[tilespmem:$0x16000] =	vst v63  }
0x86: {  	s17 =	simm.s32 $0x10000  }
0x87: {  	[tilespmem:s17], [sflag:$0x2] =	stream.indirect_vreg.gather [hbm4b:s2+s3], $0x80, v3, vm0, $0xb8;
	[tilespmem:$0x16000] =	vst v63  }
0x88: {  	s18 =	simm.s32 $0x10800  }
0x89: {  	[tilespmem:s18], [sflag:$0x2] =	stream.indirect_vreg.gather [hbm4b:s5+s3], $0x80, v3, vm0, $0xb8;
	[tilespmem:$0x16000] =	vst v63  }
0x8a: {  	s19 =	simm.s32 $0x11000  }
0x8b: {  	[tilespmem:s19], [sflag:$0x2] =	stream.indirect_vreg.gather [hbm4b:s6+s3], $0x80, v3, vm0, $0xb8;
	[tilespmem:$0x16000] =	vst v63  }
0x8c: {  	v3 =	vld [tilespmem:$0xA0];
	_ =	sdelay $0x4  }
0x8d: {  	v62 =	vshrl.u32 v3, $0x3  }
0x8e: {  	v4 =	vmul.u32 $0x30, v62  }
0x8f: {  	v3 =	vand.u32 $0x7, v3  }
0x90: {  	v3 =	vor.u32 v3, v4  }
0x91: {  	v4 =	vperm.xlane v3, v0;
	_ =	sdelay $0x1  }
0x92: {  	v4 =	vadd.s32 v1, v4;
	_ =	sdelay $0x3  }
0x93: {  	s20 =	simm.s32 $0x11800;
	v3 =	vperm.xlane v3, v2  }
0x94: {  	[tilespmem:s20], [sflag:$0x2] =	stream.indirect_vreg.gather [hbm4b:s2+s3], $0x80, v4, vm0, $0xb8;
	[tilespmem:$0x16000] =	vst v63  }
0x95: {  	s21 =	simm.s32 $0x12000;
	v3 =	vadd.s32 v1, v3  }
0x96: {  	[tilespmem:s21], [sflag:$0x2] =	stream.indirect_vreg.gather [hbm4b:s5+s3], $0x80, v4, vm0, $0xb8;
	[tilespmem:$0x16000] =	vst v63  }
0x97: {  	s22 =	simm.s32 $0x12800  }
0x98: {  	[tilespmem:s22], [sflag:$0x2] =	stream.indirect_vreg.gather [hbm4b:s6+s3], $0x80, v4, vm0, $0xb8;
	[tilespmem:$0x16000] =	vst v63  }
0x99: {  	s23 =	simm.s32 $0x13000  }
0x9a: {  	[tilespmem:s23], [sflag:$0x2] =	stream.indirect_vreg.gather [hbm4b:s2+s3], $0x80, v3, vm0, $0xb8;
	[tilespmem:$0x16000] =	vst v63  }
0x9b: {  	s24 =	simm.s32 $0x13800  }
0x9c: {  	[tilespmem:s24], [sflag:$0x2] =	stream.indirect_vreg.gather [hbm4b:s5+s3], $0x80, v3, vm0, $0xb8;
	[tilespmem:$0x16000] =	vst v63  }
0x9d: {  	s25 =	simm.s32 $0x14000  }
0x9e: {  	[tilespmem:s25], [sflag:$0x2] =	stream.indirect_vreg.gather [hbm4b:s6+s3], $0x80, v3, vm0, $0xb8;
	[tilespmem:$0x16000] =	vst v63  }
0x9f: {  	v3 =	vld.msk [tilespmem:$0xB0], $0xff;
	_ =	sdelay $0x4  }
0xa0: {  	v63 =	vshrl.u32 v3, $0x3  }
0xa1: {  	v4 =	vmul.u32 $0x30, v63  }
0xa2: {  	v3 =	vand.u32 $0x7, v3  }
0xa3: {  	v3 =	vor.u32 v3, v4  }
0xa4: {  	v3 =	vperm.xlane v3, v0;
	_ =	sdelay $0x1  }
0xa5: {  	v3 =	vadd.s32 v1, v3;
	_ =	sdelay $0x1  }
0xa6: {  	s0 =	simm.s32 $0xFFFD8A00;
	s4 =	simm.s32 $0x1000  }
0xa7: {  	s26 =	rddreg [dreg:$0x6];
	s7 =	simm.s32 $0x1B0;
	s10 =	simm.s32 $0x2800  }
0xa8: {  	s13 =	simm.s32 $0x3800;
	s14 =	simm.s32 $0x14800;
	s15 =	simm.s32 $0x4800  }
0xa9: {  	[tilespmem:s14], [sflag:$0x2] =	stream.indirect_vreg.gather [hbm4b:s2+s3], $0x80, v3, vm0, $0xb8;
	[tilespmem:$0x16000] =	vst v63  }
0xaa: {  	s16 =	simm.s32 $0x15000;
	s17 =	simm.s32 $0x5800;
	s18 =	simm.s32 $0x15800  }
0xab: {  	[tilespmem:s16], [sflag:$0x2] =	stream.indirect_vreg.gather [hbm4b:s5+s3], $0x80, v3, vm0, $0xb8;
	[tilespmem:$0x16000] =	vst v63  }
0xac: {  	s19 =	simm.s32 $0x6800;
	s20 =	simm.s32 $0x7000;
	s21 =	simm.s32 $0x7800  }
0xad: {  	[tilespmem:s18], [sflag:$0x2] =	stream.indirect_vreg.gather [hbm4b:s6+s3], $0x80, v3, vm0, $0xb8;
	[tilespmem:$0x16000] =	vst v63  }
0xae: {  	s22 =	simm.s32 $0x8000;
	s23 =	simm.s32 $0x8800;
	s24 =	simm.s32 $0x9000  }
0xaf: {  	[hbm4b:s26+s3] =	stream.linear.scatter [tilespmem:s28], [sflag:$0x3], $0xA800, $0x38;
	[tilespmem:$0x16000] =	vst v63  }
0xb0: {  	s25 =	simm.s32 $0x9800;
	s28 =	simm.s32 $0xA800;
	s26 =	simm.s32 $0xA000  }
.LBB2_2:
0xb1: {  	_ =	swait.ge [sflag:s29], $0xA800  }
0xb2: {  	[sflag:s29] =	ssyncset.done $0x0  }
0xb3: {  	[sflag:s29] =	ssyncadd.s32 $0xFFFF5800  }
0xb4: {  	_ =	swait.ge [sflag:s30], $0xA800  }
0xb5: {  	[sflag:s30] =	ssyncset.done $0x0  }
0xb6: {  	[sflag:s30] =	ssyncadd.s32 $0xFFFF5800  }
0xb7: {  	v3 =	vld [tilespmem:s7+$0xFFFFFF50];
	_ =	sdelay $0x4  }
0xb8: {  	v4 =	vshrl.u32 v3, $0x3  }
0xb9: {  	v4 =	vmul.u32 $0x30, v4  }
0xba: {  	v3 =	vand.u32 $0x7, v3  }
0xbb: {  	v3 =	vor.u32 v3, v4  }
0xbc: {  	v4 =	vperm.xlane v3, v0;
	_ =	sdelay $0x1  }
0xbd: {  	v4 =	vadd.s32 v1, v4;
	_ =	sdelay $0x3  }
0xbe: {  	v3 =	vperm.xlane v3, v2  }
0xbf: {  	[tilespmem:s4], [sflag:$0x1] =	stream.indirect_vreg.gather [hbm4b:s2+s3], $0x80, v4, vm0, $0xb8;
	[tilespmem:$0x16000] =	vst v63  }
0xc0: {  	v3 =	vadd.s32 v1, v3  }
0xc1: {  	[tilespmem:s8], [sflag:$0x1] =	stream.indirect_vreg.gather [hbm4b:s5+s3], $0x80, v4, vm0, $0xb8;
	[tilespmem:$0x16000] =	vst v63  }
0xc2: {  	_ = 	snop  }
0xc3: {  	[tilespmem:s9], [sflag:$0x1] =	stream.indirect_vreg.gather [hbm4b:s6+s3], $0x80, v4, vm0, $0xb8;
	[tilespmem:$0x16000] =	vst v63  }
0xc4: {  	_ = 	snop  }
0xc5: {  	[tilespmem:s10], [sflag:$0x1] =	stream.indirect_vreg.gather [hbm4b:s2+s3], $0x80, v3, vm0, $0xb8;
	[tilespmem:$0x16000] =	vst v63  }
0xc6: {  	s9 =	simm.s32 $0x3000  }
0xc7: {  	[tilespmem:s9], [sflag:$0x1] =	stream.indirect_vreg.gather [hbm4b:s5+s3], $0x80, v3, vm0, $0xb8;
	[tilespmem:$0x16000] =	vst v63  }
0xc8: {  	_ = 	snop  }
0xc9: {  	[tilespmem:s13], [sflag:$0x1] =	stream.indirect_vreg.gather [hbm4b:s6+s3], $0x80, v3, vm0, $0xb8;
	[tilespmem:$0x16000] =	vst v63  }
0xca: {  	v3 =	vld [tilespmem:s7+$0xFFFFFF60];
	_ =	sdelay $0x4  }
0xcb: {  	v57 =	vshrl.u32 v3, $0x3  }
0xcc: {  	v4 =	vmul.u32 $0x30, v57  }
0xcd: {  	v3 =	vand.u32 $0x7, v3  }
0xce: {  	v3 =	vor.u32 v3, v4  }
0xcf: {  	v4 =	vperm.xlane v3, v0;
	_ =	sdelay $0x1  }
0xd0: {  	v4 =	vadd.s32 v1, v4;
	_ =	sdelay $0x3  }
0xd1: {  	s11 =	simm.s32 $0x4000;
	v3 =	vperm.xlane v3, v2  }
0xd2: {  	[tilespmem:s11], [sflag:$0x1] =	stream.indirect_vreg.gather [hbm4b:s2+s3], $0x80, v4, vm0, $0xb8;
	[tilespmem:$0x16000] =	vst v63  }
0xd3: {  	v3 =	vadd.s32 v1, v3  }
0xd4: {  	[tilespmem:s15], [sflag:$0x1] =	stream.indirect_vreg.gather [hbm4b:s5+s3], $0x80, v4, vm0, $0xb8;
	[tilespmem:$0x16000] =	vst v63  }
0xd5: {  	s12 =	simm.s32 $0x5000  }
0xd6: {  	[tilespmem:s12], [sflag:$0x1] =	stream.indirect_vreg.gather [hbm4b:s6+s3], $0x80, v4, vm0, $0xb8;
	[tilespmem:$0x16000] =	vst v63  }
0xd7: {  	_ = 	snop  }
0xd8: {  	[tilespmem:s17], [sflag:$0x1] =	stream.indirect_vreg.gather [hbm4b:s2+s3], $0x80, v3, vm0, $0xb8;
	[tilespmem:$0x16000] =	vst v63  }
0xd9: {  	s9 =	simm.s32 $0x6000  }
0xda: {  	[tilespmem:s9], [sflag:$0x1] =	stream.indirect_vreg.gather [hbm4b:s5+s3], $0x80, v3, vm0, $0xb8;
	[tilespmem:$0x16000] =	vst v63  }
0xdb: {  	_ = 	snop  }
0xdc: {  	[tilespmem:s19], [sflag:$0x1] =	stream.indirect_vreg.gather [hbm4b:s6+s3], $0x80, v3, vm0, $0xb8;
	[tilespmem:$0x16000] =	vst v63  }
0xdd: {  	v3 =	vld [tilespmem:s7+$0xFFFFFF70];
	_ =	sdelay $0x4  }
0xde: {  	v58 =	vshrl.u32 v3, $0x3  }
0xdf: {  	v4 =	vmul.u32 $0x30, v58  }
0xe0: {  	v3 =	vand.u32 $0x7, v3  }
0xe1: {  	v3 =	vor.u32 v3, v4  }
0xe2: {  	v4 =	vperm.xlane v3, v0;
	_ =	sdelay $0x1  }
0xe3: {  	v4 =	vadd.s32 v1, v4;
	_ =	sdelay $0x3  }
0xe4: {  	v3 =	vperm.xlane v3, v2  }
0xe5: {  	[tilespmem:s20], [sflag:$0x1] =	stream.indirect_vreg.gather [hbm4b:s2+s3], $0x80, v4, vm0, $0xb8;
	[tilespmem:$0x16000] =	vst v63  }
0xe6: {  	v3 =	vadd.s32 v1, v3  }
0xe7: {  	[tilespmem:s21], [sflag:$0x1] =	stream.indirect_vreg.gather [hbm4b:s5+s3], $0x80, v4, vm0, $0xb8;
	[tilespmem:$0x16000] =	vst v63  }
0xe8: {  	_ = 	snop  }
0xe9: {  	[tilespmem:s22], [sflag:$0x1] =	stream.indirect_vreg.gather [hbm4b:s6+s3], $0x80, v4, vm0, $0xb8;
	[tilespmem:$0x16000] =	vst v63  }
0xea: {  	_ = 	snop  }
0xeb: {  	[tilespmem:s23], [sflag:$0x1] =	stream.indirect_vreg.gather [hbm4b:s2+s3], $0x80, v3, vm0, $0xb8;
	[tilespmem:$0x16000] =	vst v63  }
0xec: {  	_ = 	snop  }
0xed: {  	[tilespmem:s24], [sflag:$0x1] =	stream.indirect_vreg.gather [hbm4b:s5+s3], $0x80, v3, vm0, $0xb8;
	[tilespmem:$0x16000] =	vst v63  }
0xee: {  	_ = 	snop  }
0xef: {  	[tilespmem:s25], [sflag:$0x1] =	stream.indirect_vreg.gather [hbm4b:s6+s3], $0x80, v3, vm0, $0xb8;
	[tilespmem:$0x16000] =	vst v63  }
0xf0: {  	v3 =	vld.msk [tilespmem:s7+$0xFFFFFF80], $0xff;
	_ =	sdelay $0x4  }
0xf1: {  	v59 =	vshrl.u32 v3, $0x3  }
0xf2: {  	v4 =	vmul.u32 $0x30, v59  }
0xf3: {  	v3 =	vand.u32 $0x7, v3  }
0xf4: {  	v3 =	vor.u32 v3, v4  }
0xf5: {  	v3 =	vperm.xlane v3, v0;
	_ =	sdelay $0x1  }
0xf6: {  	v3 =	vadd.s32 v1, v3;
	_ =	sdelay $0x4  }
0xf7: {  	[tilespmem:s26], [sflag:$0x1] =	stream.indirect_vreg.gather [hbm4b:s2+s3], $0x80, v3, vm0, $0xb8;
	[tilespmem:$0x16000] =	vst v63  }
0xf8: {  	s11 =	rddreg [dreg:$0x4]  }
0xf9: {  	[tilespmem:s28], [sflag:$0x1] =	stream.indirect_vreg.gather [hbm4b:s5+s3], $0x80, v3, vm0, $0xb8;
	[tilespmem:$0x16000] =	vst v63  }
0xfa: {  	s8 =	sadd.s32 s0, s11;
	s12 =	simm.s32 $0xB000  }
0xfb: {  	[tilespmem:s12], [sflag:$0x1] =	stream.indirect_vreg.gather [hbm4b:s6+s3], $0x80, v3, vm0, $0xb8;
	[tilespmem:$0x16000] =	vst v63  }
0xfc: {  	s11 =	sadd.s32 $0x28B00, s8;
	s12 =	simm.s32 $0xB800  }
0xfd: {  	[hbm4b:s11+s3] =	stream.linear.scatter [tilespmem:s12], [sflag:$0x4], $0xA800, $0x38;
	[tilespmem:$0x16000] =	vst v63  }
0xfe: {  	_ =	swait.ge [sflag:s1], $0xA800  }
0xff: {  	[sflag:s1] =	ssyncset.done $0x0  }
0x100: {  	[sflag:s1] =	ssyncadd.s32 $0xFFFF5800  }
0x101: {  	_ =	swait.ge [sflag:s31], $0xA800  }
0x102: {  	[sflag:s31] =	ssyncset.done $0x0  }
0x103: {  	[sflag:s31] =	ssyncadd.s32 $0xFFFF5800  }
0x104: {  	v3 =	vld [tilespmem:s7+$0xFFFFFFD0];
	_ =	sdelay $0x4  }
0x105: {  	v60 =	vshrl.u32 v3, $0x3  }
0x106: {  	v4 =	vmul.u32 $0x30, v60  }
0x107: {  	v3 =	vand.u32 $0x7, v3  }
0x108: {  	v3 =	vor.u32 v3, v4  }
0x109: {  	v4 =	vperm.xlane v3, v0;
	_ =	sdelay $0x1  }
0x10a: {  	v4 =	vadd.s32 v1, v4;
	_ =	sdelay $0x3  }
0x10b: {  	v3 =	vperm.xlane v3, v2  }
0x10c: {  	[tilespmem:s12], [sflag:$0x2] =	stream.indirect_vreg.gather [hbm4b:s2+s3], $0x80, v4, vm0, $0xb8;
	[tilespmem:$0x16000] =	vst v63  }
0x10d: {  	v3 =	vadd.s32 v1, v3;
	s12 =	simm.s32 $0xC000  }
0x10e: {  	[tilespmem:s12], [sflag:$0x2] =	stream.indirect_vreg.gather [hbm4b:s5+s3], $0x80, v4, vm0, $0xb8;
	[tilespmem:$0x16000] =	vst v63  }
0x10f: {  	s12 =	simm.s32 $0xC800  }
0x110: {  	[tilespmem:s12], [sflag:$0x2] =	stream.indirect_vreg.gather [hbm4b:s6+s3], $0x80, v4, vm0, $0xb8;
	[tilespmem:$0x16000] =	vst v63  }
0x111: {  	s12 =	simm.s32 $0xD000  }
0x112: {  	[tilespmem:s12], [sflag:$0x2] =	stream.indirect_vreg.gather [hbm4b:s2+s3], $0x80, v3, vm0, $0xb8;
	[tilespmem:$0x16000] =	vst v63  }
0x113: {  	s12 =	simm.s32 $0xD800  }
0x114: {  	[tilespmem:s12], [sflag:$0x2] =	stream.indirect_vreg.gather [hbm4b:s5+s3], $0x80, v3, vm0, $0xb8;
	[tilespmem:$0x16000] =	vst v63  }
0x115: {  	s12 =	simm.s32 $0xE000  }
0x116: {  	[tilespmem:s12], [sflag:$0x2] =	stream.indirect_vreg.gather [hbm4b:s6+s3], $0x80, v3, vm0, $0xb8;
	[tilespmem:$0x16000] =	vst v63  }
0x117: {  	v3 =	vld [tilespmem:s7+$0xFFFFFFE0];
	_ =	sdelay $0x4  }
0x118: {  	v61 =	vshrl.u32 v3, $0x3  }
0x119: {  	v4 =	vmul.u32 $0x30, v61  }
0x11a: {  	v3 =	vand.u32 $0x7, v3  }
0x11b: {  	v3 =	vor.u32 v3, v4  }
0x11c: {  	v4 =	vperm.xlane v3, v0;
	_ =	sdelay $0x1  }
0x11d: {  	v4 =	vadd.s32 v1, v4;
	_ =	sdelay $0x3  }
0x11e: {  	s12 =	simm.s32 $0xE800;
	v3 =	vperm.xlane v3, v2  }
0x11f: {  	[tilespmem:s12], [sflag:$0x2] =	stream.indirect_vreg.gather [hbm4b:s2+s3], $0x80, v4, vm0, $0xb8;
	[tilespmem:$0x16000] =	vst v63  }
0x120: {  	v3 =	vadd.s32 v1, v3;
	s12 =	simm.s32 $0xF000  }
0x121: {  	[tilespmem:s12], [sflag:$0x2] =	stream.indirect_vreg.gather [hbm4b:s5+s3], $0x80, v4, vm0, $0xb8;
	[tilespmem:$0x16000] =	vst v63  }
0x122: {  	s12 =	simm.s32 $0xF800  }
0x123: {  	[tilespmem:s12], [sflag:$0x2] =	stream.indirect_vreg.gather [hbm4b:s6+s3], $0x80, v4, vm0, $0xb8;
	[tilespmem:$0x16000] =	vst v63  }
0x124: {  	s12 =	simm.s32 $0x10000  }
0x125: {  	[tilespmem:s12], [sflag:$0x2] =	stream.indirect_vreg.gather [hbm4b:s2+s3], $0x80, v3, vm0, $0xb8;
	[tilespmem:$0x16000] =	vst v63  }
0x126: {  	s12 =	simm.s32 $0x10800  }
0x127: {  	[tilespmem:s12], [sflag:$0x2] =	stream.indirect_vreg.gather [hbm4b:s5+s3], $0x80, v3, vm0, $0xb8;
	[tilespmem:$0x16000] =	vst v63  }
0x128: {  	s12 =	simm.s32 $0x11000  }
0x129: {  	[tilespmem:s12], [sflag:$0x2] =	stream.indirect_vreg.gather [hbm4b:s6+s3], $0x80, v3, vm0, $0xb8;
	[tilespmem:$0x16000] =	vst v63  }
0x12a: {  	v3 =	vld [tilespmem:s7+$0xFFFFFFF0];
	_ =	sdelay $0x4  }
0x12b: {  	v62 =	vshrl.u32 v3, $0x3  }
0x12c: {  	v4 =	vmul.u32 $0x30, v62  }
0x12d: {  	v3 =	vand.u32 $0x7, v3  }
0x12e: {  	v3 =	vor.u32 v3, v4  }
0x12f: {  	v4 =	vperm.xlane v3, v0;
	_ =	sdelay $0x1  }
0x130: {  	v4 =	vadd.s32 v1, v4;
	_ =	sdelay $0x3  }
0x131: {  	s12 =	simm.s32 $0x11800;
	v3 =	vperm.xlane v3, v2  }
0x132: {  	[tilespmem:s12], [sflag:$0x2] =	stream.indirect_vreg.gather [hbm4b:s2+s3], $0x80, v4, vm0, $0xb8;
	[tilespmem:$0x16000] =	vst v63  }
0x133: {  	v3 =	vadd.s32 v1, v3;
	s12 =	simm.s32 $0x12000  }
0x134: {  	[tilespmem:s12], [sflag:$0x2] =	stream.indirect_vreg.gather [hbm4b:s5+s3], $0x80, v4, vm0, $0xb8;
	[tilespmem:$0x16000] =	vst v63  }
0x135: {  	s12 =	simm.s32 $0x12800  }
0x136: {  	[tilespmem:s12], [sflag:$0x2] =	stream.indirect_vreg.gather [hbm4b:s6+s3], $0x80, v4, vm0, $0xb8;
	[tilespmem:$0x16000] =	vst v63  }
0x137: {  	s12 =	simm.s32 $0x13000  }
0x138: {  	[tilespmem:s12], [sflag:$0x2] =	stream.indirect_vreg.gather [hbm4b:s2+s3], $0x80, v3, vm0, $0xb8;
	[tilespmem:$0x16000] =	vst v63  }
0x139: {  	s12 =	simm.s32 $0x13800  }
0x13a: {  	[tilespmem:s12], [sflag:$0x2] =	stream.indirect_vreg.gather [hbm4b:s5+s3], $0x80, v3, vm0, $0xb8;
	[tilespmem:$0x16000] =	vst v63  }
0x13b: {  	s12 =	simm.s32 $0x14000  }
0x13c: {  	[tilespmem:s12], [sflag:$0x2] =	stream.indirect_vreg.gather [hbm4b:s6+s3], $0x80, v3, vm0, $0xb8;
	[tilespmem:$0x16000] =	vst v63  }
0x13d: {  	v3 =	vld.msk [tilespmem:s7+$0x0], $0xff;
	_ =	sdelay $0x4  }
0x13e: {  	v63 =	vshrl.u32 v3, $0x3  }
0x13f: {  	v4 =	vmul.u32 $0x30, v63  }
0x140: {  	v3 =	vand.u32 $0x7, v3  }
0x141: {  	v3 =	vor.u32 v3, v4  }
0x142: {  	v3 =	vperm.xlane v3, v0;
	_ =	sdelay $0x1  }
0x143: {  	v3 =	vadd.s32 v1, v3;
	_ =	sdelay $0x4  }
0x144: {  	[tilespmem:s14], [sflag:$0x2] =	stream.indirect_vreg.gather [hbm4b:s2+s3], $0x80, v3, vm0, $0xb8;
	[tilespmem:$0x16000] =	vst v63  }
0x145: {  	p0 =	sne.s32 s0, $0xFFFFD600  }
0x146: {  	[tilespmem:s16], [sflag:$0x2] =	stream.indirect_vreg.gather [hbm4b:s5+s3], $0x80, v3, vm0, $0xb8;
	[tilespmem:$0x16000] =	vst v63  }
.Ltmp0:
0x147: {  	_ = 	snop;
	(pc) =	sbr.rel @p0 .LBB2_2-.Ltmp0, $4  }
0x148: {  	[tilespmem:s18], [sflag:$0x2] =	stream.indirect_vreg.gather [hbm4b:s6+s3], $0x80, v3, vm0, $0xb8;
	[tilespmem:$0x16000] =	vst v63  }
0x149: {  	s0 =	sadd.s32 $0x2A00, s0;
	s8 =	sadd.s32 $0x2A000, s8;
	s9 =	simm.s32 $0x2000  }
0x14a: {  	[hbm4b:s8+s3] =	stream.linear.scatter [tilespmem:s4], [sflag:$0x3], $0xA800, $0x38;
	[tilespmem:$0x16000] =	vst v63  }
0x14b: {  	s11 =	simm.s32 $0xB800;
	s7 =	sadd.s32 $0x100, s7;
	s8 =	simm.s32 $0x1800  }
0x14c: {  	_ =	swait.ge [sflag:s29], $0xA800  }
0x14d: {  	[sflag:s29] =	ssyncset.done $0x0  }
0x14e: {  	[sflag:s29] =	ssyncadd.s32 $0xFFFF5800  }
0x14f: {  	_ =	swait.ge [sflag:s30], $0xA800  }
0x150: {  	[sflag:s30] =	ssyncset.done $0x0  }
0x151: {  	s7 =	simm.s32 $0x2800;
	s0 =	rddreg [dreg:$0x7];
	[sflag:s30] =	ssyncadd.s32 $0xFFFF5800  }
0x152: {  	[hbm4b:s0+s3] =	stream.linear.scatter [tilespmem:s11], [sflag:$0x4], $0xA800, $0x38;
	[tilespmem:$0x16000] =	vst v63  }
0x153: {  	s10 =	simm.s32 $0x3000;
	s12 =	simm.s32 $0x3800;
	_ =	swait.ge [sflag:s31], $0xA800  }
0x154: {  	s13 =	simm.s32 $0x4000;
	s14 =	simm.s32 $0x4800;
	s4 =	rddreg [dreg:$0x9]  }
0x155: {  	s15 =	simm.s32 $0x5000;
	s26 =	rddreg [dreg:$0x8];
	s4 =	sadd.s32 $0x1, s4  }
0x156: {  	s16 =	simm.s32 $0x5800;
	s17 =	simm.s32 $0x6000;
	p0 =	sne.s32 s4, s26  }
.Ltmp1:
0x157: {  	s18 =	simm.s32 $0x6800;
	s19 =	simm.s32 $0x7000;
	(pc) =	sbr.rel @p0 .LBB2_1-.Ltmp1, $4  }
0x158: {  	s20 =	simm.s32 $0x7800;
	s21 =	simm.s32 $0x8000;
	s22 =	simm.s32 $0x8800  }
0x159: {  	s23 =	simm.s32 $0x9000;
	s24 =	simm.s32 $0x9800;
	[sflag:s31] =	ssyncset.done $0x0  }
0x15a: {  	s25 =	simm.s32 $0xA000;
	s28 =	simm.s32 $0x1000;
	[sflag:s31] =	ssyncadd.s32 $0xFFFF5800  }
0x15b: {  	[dreg:$0x9] =	wrdreg s4;
	s26 =	simm.s32 $0xA800;
	s4 =	simm.s32 $0xB000  }
0x15c: {  	_ =	sfence.sel $0x180000  }
0x15d: {  	[bflag:$0x0] =	sbarrier.arrive $0xFFFF  }
0x15e: {  	_ =	strace $0x90000047  }
0x15f: {  	s0 =	stileid.u32;
	[bflag:$0x2] =	sbarrier.arrive $0xFFFF  }
0x160: {  	p0 =	sne.s32 s0, $0x0;
	s0 =	rddreg [dreg:$0x3]  }
0x161: {  	s0 =	sadd.s32 @!p0 $0x100000, s0  }
0x162: {  	[sflag:s0] =	ssyncadd.tile.s32 @!p0 $0x1;
	_ =	shalt  }
.Lfunc_end2:
_tile_overlayer_lowered:
.L_overlay_start_2:
0x163: {  	(tag) =	ssettag $0x2  }
0x164: {  	s0 =	rddreg [dreg:$0x0];
	s2 =	stileid.u32  }
0x165: {  	s1 =	rddreg [dreg:$0x1];
	p0 =	sne.s32 s2, $0x0  }
0x166: {  	s3 =	rddreg [dreg:$0x2];
	[bflag:$0x3] =	sbarrier.arrive $0xFFFF;
	s2 =	simm.s32 @!p0 $0x1C05  }
0x167: {  	[timem:s3], [sflag:s2] =	dma.local @!p0 [hbm:s0], s1  }
0x168: {  	s0 =	simm.s32 @!p0 $0x5  }
0x169: {  	_ =	swait.ge @!p0 [sflag:s0], s1  }
0x16a: {  	s1 =	ssub.s32 @!p0 $0x0, s1;
	[sflag:s0] =	ssyncset.done @!p0 $0x0  }
0x16b: {  	[sflag:s0] =	ssyncadd.s32 @!p0 s1  }
0x16c: {  	[bflag:$0x3] =	sbarrier.arrive $0xFFFF  }
0x16d: {  	_ =	shalt  }

</sc_bundles>
